<compile_context>
chip_gen: v7x
topology: tpu7x:2x2x1
jax: 0.10.2.dev20260603
libtpu: 0.0.44.dev20260713+nightly
codegen_flags: <defaults>
</compile_context>

<pallas_src>
import functools

import jax
import jax.numpy as jnp
from jax import lax
from jax.experimental import pallas as pl
from jax.experimental.pallas import tpu as pltpu
from jax.experimental.pallas import tpu_sc as plsc

_NC = 2
_NS = 16
_NW = _NC * _NS
_STAGERS = 10
_STAGE_ROUND = 25_000


def _sc_gather(idx_flat, values):
    total = idx_flat.shape[0]
    nvals = values.shape[0]
    assert total % (8 * _NW) == 0
    per_w = total // _NW
    stage_per = nvals // _STAGERS
    assert stage_per % _STAGE_ROUND == 0 and _STAGE_ROUND % 8 == 0
    assert _STAGE_ROUND <= per_w
    nrounds = stage_per // _STAGE_ROUND
    mesh = plsc.VectorSubcoreMesh(core_axis_name="c", subcore_axis_name="s")

    @functools.partial(
        pl.kernel,
        mesh=mesh,
        out_type=jax.ShapeDtypeStruct((total,), jnp.float32),
        scratch_types=[
            pltpu.VMEM_SHARED((nvals,), jnp.float32),
            pltpu.VMEM((per_w,), jnp.int32),
            pltpu.VMEM((per_w,), jnp.float32),
            pltpu.SemaphoreType.DMA,
            pltpu.SemaphoreType.DMA,
        ],
    )
    def k(idx_hbm, values_hbm, out_hbm, shared, idx_v, rows_v, sem, isem):
        c = lax.axis_index("c")
        s = lax.axis_index("s")
        wid = s * _NC + c
        base = wid * per_w
        idx_cp = pltpu.async_copy(idx_hbm.at[pl.ds(base, per_w)], idx_v, isem)

        @pl.when(s < _STAGERS)
        def _stage():
            bounce = rows_v.at[pl.ds(0, _STAGE_ROUND)]
            for j in range(nrounds):
                off = s * stage_per + j * _STAGE_ROUND
                pltpu.sync_copy(values_hbm.at[pl.ds(off, _STAGE_ROUND)],
                                bounce)
                pltpu.sync_copy(bounce, shared.at[pl.ds(off, _STAGE_ROUND)])

        plsc.subcore_barrier()
        idx_cp.wait()
        pltpu.async_copy(shared.at[idx_v], rows_v, sem).wait()
        pltpu.sync_copy(rows_v, out_hbm.at[pl.ds(base, per_w)])

    return k(idx_flat, values)


def kernel(indices, values):
    b, l = indices.shape
    idx_flat = indices.T.reshape(-1).astype(jnp.int32)
    out = _sc_gather(idx_flat, values)
    return out.reshape(l, b, 1).transpose(1, 0, 2)

# --- scband reference (transcript-rebuilt; emitter-appended) ---
"""Pipeline reference for scband-optimal-value-function-64089501991318 (READ-ONLY COPY).

The authoritative reference and input builder live on the scoring server;
editing this copy changes nothing except your own understanding.
"""

import jax, jax.numpy as jnp
import numpy as np

NUM_STATES = 1000000
BATCH = 4096
SEQ = 200


def setup_inputs(seed: int = 0) -> dict:
    key = jax.random.key(seed)
    k1, k2 = jax.random.split(key)
    # batched_states: each state is modeled as an integer id into the optimal_values dict,
    # which is materialized as a dense float32 value table of size NUM_STATES.
    indices = jax.random.randint(k1, (BATCH, SEQ), 0, NUM_STATES, dtype=jnp.int64)
    values = jax.random.normal(k2, (NUM_STATES,), dtype=jnp.float32)
    return {"indices": indices, "values": values}


def reference(indices, values):
    # torch.stack([torch.tensor([optimal_values[state] for state in states]).view(-1, 1)
    #              for states in batched_states])
    # -> gather values by state id, producing [B, L, 1]
    gathered = jnp.take(values, indices, axis=0)  # [B, L]
    return gathered[..., None]  # [B, L, 1]

if __name__ == "__main__":
    import jax
    _d = setup_inputs()
    print(jax.jit(kernel)(*tuple(_d.values())))

</pallas_src>

<mosaic_0001>
#map = affine_map<(d0, d1) -> (0)>
module attributes {stable_mosaic.version = 14 : i64} {
  func.func @k(%arg0: i32, %arg1: i32, %arg2: memref<819200xi32, #tpu.memory_space<hbm>>, %arg3: memref<1000000xf32, #tpu.memory_space<hbm>>, %arg4: memref<819200xf32, #tpu.memory_space<hbm>>, %arg5: memref<1000000xf32, #tpu.memory_space<vmem_shared>>, %arg6: memref<25600xi32, #tpu.memory_space<vmem>>, %arg7: memref<25600xf32, #tpu.memory_space<vmem>>, %arg8: memref<!tpu.dma_semaphore, #tpu.memory_space<semaphore_mem>>, %arg9: memref<!tpu.dma_semaphore, #tpu.memory_space<semaphore_mem>>) attributes {dimension_semantics = [#tpu.dimension_semantics<core_parallel>, #tpu.dimension_semantics<subcore_parallel>], iteration_bounds = array<i64: 2, 16>, scalar_prefetch = 0 : i64, scratch_operands = 5 : i64, tpu.core_type = #tpu.core_type<sc_vector_subcore>, window_params = [{transform_indices = #map}, {transform_indices = #map}, {transform_indices = #map}]} {
    %mul3A = arith.constant 2 : i32
    %mul3A_0 = arith.muli %arg1, %mul3A : i32
    %add3A = arith.addi %mul3A_0, %arg0 : i32
    %mul3A_1 = arith.constant 25600 : i32
    %mul3A_2 = arith.muli %add3A, %mul3A_1 : i32
    %dma_start3A = tpu.memref_slice %arg2[%mul3A_2] : memref<819200xi32, #tpu.memory_space<hbm>> -> memref<25600xi32, #tpu.memory_space<hbm>>
    %dma_start3A_3 = tpu.memref_slice %arg2[%mul3A_2] : memref<819200xi32, #tpu.memory_space<hbm>> -> memref<25600xi32, #tpu.memory_space<hbm>>
    tpu.enqueue_dma source(%dma_start3A_3 : memref<25600xi32, #tpu.memory_space<hbm>>) target(%arg6 : memref<25600xi32, #tpu.memory_space<vmem>>) target_semaphore(%arg9 : memref<!tpu.dma_semaphore, #tpu.memory_space<semaphore_mem>>)
    %lt3A = arith.constant 10 : i32
    %lt3A_4 = arith.cmpi slt, %arg1, %lt3A : i32
    %convert_element_type3A = arith.extui %lt3A_4 : i1 to i32
    %cond3A = arith.constant 0 : i32
    %cond3A_5 = arith.cmpi ne, %convert_element_type3A, %cond3A : i32
    scf.if %cond3A_5 {
      %mul3A_11 = arith.constant 100000 : i32
      %mul3A_12 = arith.muli %arg1, %mul3A_11 : i32
      %add3A_13 = arith.constant 0 : i32
      %add3A_14 = arith.addi %mul3A_12, %add3A_13 : i32
      "tpu.region"() ({
        %run_scoped3A = tpu.sem_alloc : memref<!tpu.dma_semaphore, #tpu.memory_space<semaphore_mem>>
        %dma_start3A_27 = arith.constant 0 : i32
        %dma_start3A_28 = tpu.memref_slice %arg7[%dma_start3A_27] : memref<25600xf32, #tpu.memory_space<vmem>> -> memref<25000xf32, #tpu.memory_space<vmem>>
        %dma_start3A_29 = tpu.memref_slice %arg3[%add3A_14] : memref<1000000xf32, #tpu.memory_space<hbm>> -> memref<25000xf32, #tpu.memory_space<hbm>>
        %dma_start3A_30 = arith.constant 0 : i32
        %dma_start3A_31 = tpu.memref_slice %arg7[%dma_start3A_30] : memref<25600xf32, #tpu.memory_space<vmem>> -> memref<25000xf32, #tpu.memory_space<vmem>>
        %dma_start3A_32 = tpu.memref_slice %arg3[%add3A_14] : memref<1000000xf32, #tpu.memory_space<hbm>> -> memref<25000xf32, #tpu.memory_space<hbm>>
        tpu.enqueue_dma source(%dma_start3A_32 : memref<25000xf32, #tpu.memory_space<hbm>>) target(%dma_start3A_31 : memref<25000xf32, #tpu.memory_space<vmem>>) target_semaphore(%run_scoped3A : memref<!tpu.dma_semaphore, #tpu.memory_space<semaphore_mem>>)
        %dma_wait3A_33 = arith.constant 0 : i32
        %dma_wait3A_34 = tpu.memref_slice %arg7[%dma_wait3A_33] : memref<25600xf32, #tpu.memory_space<vmem>> -> memref<25000xf32, #tpu.memory_space<vmem>>
        %dma_wait3A_35 = tpu.memref_slice %arg3[%add3A_14] : memref<1000000xf32, #tpu.memory_space<hbm>> -> memref<25000xf32, #tpu.memory_space<hbm>>
        %dma_wait3A_36 = arith.constant 0 : i32
        %dma_wait3A_37 = tpu.memref_slice %arg7[%dma_wait3A_36] : memref<25600xf32, #tpu.memory_space<vmem>> -> memref<25000xf32, #tpu.memory_space<vmem>>
        %dma_wait3A_38 = tpu.memref_slice %arg3[%add3A_14] : memref<1000000xf32, #tpu.memory_space<hbm>> -> memref<25000xf32, #tpu.memory_space<hbm>>
        tpu.wait_dma2 semaphore(%run_scoped3A : memref<!tpu.dma_semaphore, #tpu.memory_space<semaphore_mem>>) src(%dma_wait3A_38 : memref<25000xf32, #tpu.memory_space<hbm>>) dst(%dma_wait3A_37 : memref<25000xf32, #tpu.memory_space<vmem>>)
        tpu.yield
      }) : () -> ()
      "tpu.region"() ({
        %run_scoped3A = tpu.sem_alloc : memref<!tpu.dma_semaphore, #tpu.memory_space<semaphore_mem>>
        %dma_start3A_27 = arith.constant 0 : i32
        %dma_start3A_28 = tpu.memref_slice %arg7[%dma_start3A_27] : memref<25600xf32, #tpu.memory_space<vmem>> -> memref<25000xf32, #tpu.memory_space<vmem>>
        %dma_start3A_29 = tpu.memref_slice %arg5[%add3A_14] : memref<1000000xf32, #tpu.memory_space<vmem_shared>> -> memref<25000xf32, #tpu.memory_space<vmem_shared>>
        %dma_start3A_30 = tpu.memref_slice %arg5[%add3A_14] : memref<1000000xf32, #tpu.memory_space<vmem_shared>> -> memref<25000xf32, #tpu.memory_space<vmem_shared>>
        %dma_start3A_31 = arith.constant 0 : i32
        %dma_start3A_32 = tpu.memref_slice %arg7[%dma_start3A_31] : memref<25600xf32, #tpu.memory_space<vmem>> -> memref<25000xf32, #tpu.memory_space<vmem>>
        tpu.enqueue_dma source(%dma_start3A_32 : memref<25000xf32, #tpu.memory_space<vmem>>) target(%dma_start3A_30 : memref<25000xf32, #tpu.memory_space<vmem_shared>>) target_semaphore(%run_scoped3A : memref<!tpu.dma_semaphore, #tpu.memory_space<semaphore_mem>>)
        %dma_wait3A_33 = arith.constant 0 : i32
        %dma_wait3A_34 = tpu.memref_slice %arg7[%dma_wait3A_33] : memref<25600xf32, #tpu.memory_space<vmem>> -> memref<25000xf32, #tpu.memory_space<vmem>>
        %dma_wait3A_35 = tpu.memref_slice %arg5[%add3A_14] : memref<1000000xf32, #tpu.memory_space<vmem_shared>> -> memref<25000xf32, #tpu.memory_space<vmem_shared>>
        %dma_wait3A_36 = tpu.memref_slice %arg5[%add3A_14] : memref<1000000xf32, #tpu.memory_space<vmem_shared>> -> memref<25000xf32, #tpu.memory_space<vmem_shared>>
        %dma_wait3A_37 = arith.constant 0 : i32
        %dma_wait3A_38 = tpu.memref_slice %arg7[%dma_wait3A_37] : memref<25600xf32, #tpu.memory_space<vmem>> -> memref<25000xf32, #tpu.memory_space<vmem>>
        tpu.wait_dma2 semaphore(%run_scoped3A : memref<!tpu.dma_semaphore, #tpu.memory_space<semaphore_mem>>) src(%dma_wait3A_38 : memref<25000xf32, #tpu.memory_space<vmem>>) dst(%dma_wait3A_36 : memref<25000xf32, #tpu.memory_space<vmem_shared>>)
        tpu.yield
      }) : () -> ()
      %mul3A_15 = arith.constant 100000 : i32
      %mul3A_16 = arith.muli %arg1, %mul3A_15 : i32
      %add3A_17 = arith.constant 25000 : i32
      %add3A_18 = arith.addi %mul3A_16, %add3A_17 : i32
      "tpu.region"() ({
        %run_scoped3A = tpu.sem_alloc : memref<!tpu.dma_semaphore, #tpu.memory_space<semaphore_mem>>
        %dma_start3A_27 = arith.constant 0 : i32
        %dma_start3A_28 = tpu.memref_slice %arg7[%dma_start3A_27] : memref<25600xf32, #tpu.memory_space<vmem>> -> memref<25000xf32, #tpu.memory_space<vmem>>
        %dma_start3A_29 = tpu.memref_slice %arg3[%add3A_18] : memref<1000000xf32, #tpu.memory_space<hbm>> -> memref<25000xf32, #tpu.memory_space<hbm>>
        %dma_start3A_30 = arith.constant 0 : i32
        %dma_start3A_31 = tpu.memref_slice %arg7[%dma_start3A_30] : memref<25600xf32, #tpu.memory_space<vmem>> -> memref<25000xf32, #tpu.memory_space<vmem>>
        %dma_start3A_32 = tpu.memref_slice %arg3[%add3A_18] : memref<1000000xf32, #tpu.memory_space<hbm>> -> memref<25000xf32, #tpu.memory_space<hbm>>
        tpu.enqueue_dma source(%dma_start3A_32 : memref<25000xf32, #tpu.memory_space<hbm>>) target(%dma_start3A_31 : memref<25000xf32, #tpu.memory_space<vmem>>) target_semaphore(%run_scoped3A : memref<!tpu.dma_semaphore, #tpu.memory_space<semaphore_mem>>)
        %dma_wait3A_33 = arith.constant 0 : i32
        %dma_wait3A_34 = tpu.memref_slice %arg7[%dma_wait3A_33] : memref<25600xf32, #tpu.memory_space<vmem>> -> memref<25000xf32, #tpu.memory_space<vmem>>
        %dma_wait3A_35 = tpu.memref_slice %arg3[%add3A_18] : memref<1000000xf32, #tpu.memory_space<hbm>> -> memref<25000xf32, #tpu.memory_space<hbm>>
        %dma_wait3A_36 = arith.constant 0 : i32
        %dma_wait3A_37 = tpu.memref_slice %arg7[%dma_wait3A_36] : memref<25600xf32, #tpu.memory_space<vmem>> -> memref<25000xf32, #tpu.memory_space<vmem>>
        %dma_wait3A_38 = tpu.memref_slice %arg3[%add3A_18] : memref<1000000xf32, #tpu.memory_space<hbm>> -> memref<25000xf32, #tpu.memory_space<hbm>>
        tpu.wait_dma2 semaphore(%run_scoped3A : memref<!tpu.dma_semaphore, #tpu.memory_space<semaphore_mem>>) src(%dma_wait3A_38 : memref<25000xf32, #tpu.memory_space<hbm>>) dst(%dma_wait3A_37 : memref<25000xf32, #tpu.memory_space<vmem>>)
        tpu.yield
      }) : () -> ()
      "tpu.region"() ({
        %run_scoped3A = tpu.sem_alloc : memref<!tpu.dma_semaphore, #tpu.memory_space<semaphore_mem>>
        %dma_start3A_27 = arith.constant 0 : i32
        %dma_start3A_28 = tpu.memref_slice %arg7[%dma_start3A_27] : memref<25600xf32, #tpu.memory_space<vmem>> -> memref<25000xf32, #tpu.memory_space<vmem>>
        %dma_start3A_29 = tpu.memref_slice %arg5[%add3A_18] : memref<1000000xf32, #tpu.memory_space<vmem_shared>> -> memref<25000xf32, #tpu.memory_space<vmem_shared>>
        %dma_start3A_30 = tpu.memref_slice %arg5[%add3A_18] : memref<1000000xf32, #tpu.memory_space<vmem_shared>> -> memref<25000xf32, #tpu.memory_space<vmem_shared>>
        %dma_start3A_31 = arith.constant 0 : i32
        %dma_start3A_32 = tpu.memref_slice %arg7[%dma_start3A_31] : memref<25600xf32, #tpu.memory_space<vmem>> -> memref<25000xf32, #tpu.memory_space<vmem>>
        tpu.enqueue_dma source(%dma_start3A_32 : memref<25000xf32, #tpu.memory_space<vmem>>) target(%dma_start3A_30 : memref<25000xf32, #tpu.memory_space<vmem_shared>>) target_semaphore(%run_scoped3A : memref<!tpu.dma_semaphore, #tpu.memory_space<semaphore_mem>>)
        %dma_wait3A_33 = arith.constant 0 : i32
        %dma_wait3A_34 = tpu.memref_slice %arg7[%dma_wait3A_33] : memref<25600xf32, #tpu.memory_space<vmem>> -> memref<25000xf32, #tpu.memory_space<vmem>>
        %dma_wait3A_35 = tpu.memref_slice %arg5[%add3A_18] : memref<1000000xf32, #tpu.memory_space<vmem_shared>> -> memref<25000xf32, #tpu.memory_space<vmem_shared>>
        %dma_wait3A_36 = tpu.memref_slice %arg5[%add3A_18] : memref<1000000xf32, #tpu.memory_space<vmem_shared>> -> memref<25000xf32, #tpu.memory_space<vmem_shared>>
        %dma_wait3A_37 = arith.constant 0 : i32
        %dma_wait3A_38 = tpu.memref_slice %arg7[%dma_wait3A_37] : memref<25600xf32, #tpu.memory_space<vmem>> -> memref<25000xf32, #tpu.memory_space<vmem>>
        tpu.wait_dma2 semaphore(%run_scoped3A : memref<!tpu.dma_semaphore, #tpu.memory_space<semaphore_mem>>) src(%dma_wait3A_38 : memref<25000xf32, #tpu.memory_space<vmem>>) dst(%dma_wait3A_36 : memref<25000xf32, #tpu.memory_space<vmem_shared>>)
        tpu.yield
      }) : () -> ()
      %mul3A_19 = arith.constant 100000 : i32
      %mul3A_20 = arith.muli %arg1, %mul3A_19 : i32
      %add3A_21 = arith.constant 50000 : i32
      %add3A_22 = arith.addi %mul3A_20, %add3A_21 : i32
      "tpu.region"() ({
        %run_scoped3A = tpu.sem_alloc : memref<!tpu.dma_semaphore, #tpu.memory_space<semaphore_mem>>
        %dma_start3A_27 = arith.constant 0 : i32
        %dma_start3A_28 = tpu.memref_slice %arg7[%dma_start3A_27] : memref<25600xf32, #tpu.memory_space<vmem>> -> memref<25000xf32, #tpu.memory_space<vmem>>
        %dma_start3A_29 = tpu.memref_slice %arg3[%add3A_22] : memref<1000000xf32, #tpu.memory_space<hbm>> -> memref<25000xf32, #tpu.memory_space<hbm>>
        %dma_start3A_30 = arith.constant 0 : i32
        %dma_start3A_31 = tpu.memref_slice %arg7[%dma_start3A_30] : memref<25600xf32, #tpu.memory_space<vmem>> -> memref<25000xf32, #tpu.memory_space<vmem>>
        %dma_start3A_32 = tpu.memref_slice %arg3[%add3A_22] : memref<1000000xf32, #tpu.memory_space<hbm>> -> memref<25000xf32, #tpu.memory_space<hbm>>
        tpu.enqueue_dma source(%dma_start3A_32 : memref<25000xf32, #tpu.memory_space<hbm>>) target(%dma_start3A_31 : memref<25000xf32, #tpu.memory_space<vmem>>) target_semaphore(%run_scoped3A : memref<!tpu.dma_semaphore, #tpu.memory_space<semaphore_mem>>)
        %dma_wait3A_33 = arith.constant 0 : i32
        %dma_wait3A_34 = tpu.memref_slice %arg7[%dma_wait3A_33] : memref<25600xf32, #tpu.memory_space<vmem>> -> memref<25000xf32, #tpu.memory_space<vmem>>
        %dma_wait3A_35 = tpu.memref_slice %arg3[%add3A_22] : memref<1000000xf32, #tpu.memory_space<hbm>> -> memref<25000xf32, #tpu.memory_space<hbm>>
        %dma_wait3A_36 = arith.constant 0 : i32
        %dma_wait3A_37 = tpu.memref_slice %arg7[%dma_wait3A_36] : memref<25600xf32, #tpu.memory_space<vmem>> -> memref<25000xf32, #tpu.memory_space<vmem>>
        %dma_wait3A_38 = tpu.memref_slice %arg3[%add3A_22] : memref<1000000xf32, #tpu.memory_space<hbm>> -> memref<25000xf32, #tpu.memory_space<hbm>>
        tpu.wait_dma2 semaphore(%run_scoped3A : memref<!tpu.dma_semaphore, #tpu.memory_space<semaphore_mem>>) src(%dma_wait3A_38 : memref<25000xf32, #tpu.memory_space<hbm>>) dst(%dma_wait3A_37 : memref<25000xf32, #tpu.memory_space<vmem>>)
        tpu.yield
      }) : () -> ()
      "tpu.region"() ({
        %run_scoped3A = tpu.sem_alloc : memref<!tpu.dma_semaphore, #tpu.memory_space<semaphore_mem>>
        %dma_start3A_27 = arith.constant 0 : i32
        %dma_start3A_28 = tpu.memref_slice %arg7[%dma_start3A_27] : memref<25600xf32, #tpu.memory_space<vmem>> -> memref<25000xf32, #tpu.memory_space<vmem>>
        %dma_start3A_29 = tpu.memref_slice %arg5[%add3A_22] : memref<1000000xf32, #tpu.memory_space<vmem_shared>> -> memref<25000xf32, #tpu.memory_space<vmem_shared>>
        %dma_start3A_30 = tpu.memref_slice %arg5[%add3A_22] : memref<1000000xf32, #tpu.memory_space<vmem_shared>> -> memref<25000xf32, #tpu.memory_space<vmem_shared>>
        %dma_start3A_31 = arith.constant 0 : i32
        %dma_start3A_32 = tpu.memref_slice %arg7[%dma_start3A_31] : memref<25600xf32, #tpu.memory_space<vmem>> -> memref<25000xf32, #tpu.memory_space<vmem>>
        tpu.enqueue_dma source(%dma_start3A_32 : memref<25000xf32, #tpu.memory_space<vmem>>) target(%dma_start3A_30 : memref<25000xf32, #tpu.memory_space<vmem_shared>>) target_semaphore(%run_scoped3A : memref<!tpu.dma_semaphore, #tpu.memory_space<semaphore_mem>>)
        %dma_wait3A_33 = arith.constant 0 : i32
        %dma_wait3A_34 = tpu.memref_slice %arg7[%dma_wait3A_33] : memref<25600xf32, #tpu.memory_space<vmem>> -> memref<25000xf32, #tpu.memory_space<vmem>>
        %dma_wait3A_35 = tpu.memref_slice %arg5[%add3A_22] : memref<1000000xf32, #tpu.memory_space<vmem_shared>> -> memref<25000xf32, #tpu.memory_space<vmem_shared>>
        %dma_wait3A_36 = tpu.memref_slice %arg5[%add3A_22] : memref<1000000xf32, #tpu.memory_space<vmem_shared>> -> memref<25000xf32, #tpu.memory_space<vmem_shared>>
        %dma_wait3A_37 = arith.constant 0 : i32
        %dma_wait3A_38 = tpu.memref_slice %arg7[%dma_wait3A_37] : memref<25600xf32, #tpu.memory_space<vmem>> -> memref<25000xf32, #tpu.memory_space<vmem>>
        tpu.wait_dma2 semaphore(%run_scoped3A : memref<!tpu.dma_semaphore, #tpu.memory_space<semaphore_mem>>) src(%dma_wait3A_38 : memref<25000xf32, #tpu.memory_space<vmem>>) dst(%dma_wait3A_36 : memref<25000xf32, #tpu.memory_space<vmem_shared>>)
        tpu.yield
      }) : () -> ()
      %mul3A_23 = arith.constant 100000 : i32
      %mul3A_24 = arith.muli %arg1, %mul3A_23 : i32
      %add3A_25 = arith.constant 75000 : i32
      %add3A_26 = arith.addi %mul3A_24, %add3A_25 : i32
      "tpu.region"() ({
        %run_scoped3A = tpu.sem_alloc : memref<!tpu.dma_semaphore, #tpu.memory_space<semaphore_mem>>
        %dma_start3A_27 = arith.constant 0 : i32
        %dma_start3A_28 = tpu.memref_slice %arg7[%dma_start3A_27] : memref<25600xf32, #tpu.memory_space<vmem>> -> memref<25000xf32, #tpu.memory_space<vmem>>
        %dma_start3A_29 = tpu.memref_slice %arg3[%add3A_26] : memref<1000000xf32, #tpu.memory_space<hbm>> -> memref<25000xf32, #tpu.memory_space<hbm>>
        %dma_start3A_30 = arith.constant 0 : i32
        %dma_start3A_31 = tpu.memref_slice %arg7[%dma_start3A_30] : memref<25600xf32, #tpu.memory_space<vmem>> -> memref<25000xf32, #tpu.memory_space<vmem>>
        %dma_start3A_32 = tpu.memref_slice %arg3[%add3A_26] : memref<1000000xf32, #tpu.memory_space<hbm>> -> memref<25000xf32, #tpu.memory_space<hbm>>
        tpu.enqueue_dma source(%dma_start3A_32 : memref<25000xf32, #tpu.memory_space<hbm>>) target(%dma_start3A_31 : memref<25000xf32, #tpu.memory_space<vmem>>) target_semaphore(%run_scoped3A : memref<!tpu.dma_semaphore, #tpu.memory_space<semaphore_mem>>)
        %dma_wait3A_33 = arith.constant 0 : i32
        %dma_wait3A_34 = tpu.memref_slice %arg7[%dma_wait3A_33] : memref<25600xf32, #tpu.memory_space<vmem>> -> memref<25000xf32, #tpu.memory_space<vmem>>
        %dma_wait3A_35 = tpu.memref_slice %arg3[%add3A_26] : memref<1000000xf32, #tpu.memory_space<hbm>> -> memref<25000xf32, #tpu.memory_space<hbm>>
        %dma_wait3A_36 = arith.constant 0 : i32
        %dma_wait3A_37 = tpu.memref_slice %arg7[%dma_wait3A_36] : memref<25600xf32, #tpu.memory_space<vmem>> -> memref<25000xf32, #tpu.memory_space<vmem>>
        %dma_wait3A_38 = tpu.memref_slice %arg3[%add3A_26] : memref<1000000xf32, #tpu.memory_space<hbm>> -> memref<25000xf32, #tpu.memory_space<hbm>>
        tpu.wait_dma2 semaphore(%run_scoped3A : memref<!tpu.dma_semaphore, #tpu.memory_space<semaphore_mem>>) src(%dma_wait3A_38 : memref<25000xf32, #tpu.memory_space<hbm>>) dst(%dma_wait3A_37 : memref<25000xf32, #tpu.memory_space<vmem>>)
        tpu.yield
      }) : () -> ()
      "tpu.region"() ({
        %run_scoped3A = tpu.sem_alloc : memref<!tpu.dma_semaphore, #tpu.memory_space<semaphore_mem>>
        %dma_start3A_27 = arith.constant 0 : i32
        %dma_start3A_28 = tpu.memref_slice %arg7[%dma_start3A_27] : memref<25600xf32, #tpu.memory_space<vmem>> -> memref<25000xf32, #tpu.memory_space<vmem>>
        %dma_start3A_29 = tpu.memref_slice %arg5[%add3A_26] : memref<1000000xf32, #tpu.memory_space<vmem_shared>> -> memref<25000xf32, #tpu.memory_space<vmem_shared>>
        %dma_start3A_30 = tpu.memref_slice %arg5[%add3A_26] : memref<1000000xf32, #tpu.memory_space<vmem_shared>> -> memref<25000xf32, #tpu.memory_space<vmem_shared>>
        %dma_start3A_31 = arith.constant 0 : i32
        %dma_start3A_32 = tpu.memref_slice %arg7[%dma_start3A_31] : memref<25600xf32, #tpu.memory_space<vmem>> -> memref<25000xf32, #tpu.memory_space<vmem>>
        tpu.enqueue_dma source(%dma_start3A_32 : memref<25000xf32, #tpu.memory_space<vmem>>) target(%dma_start3A_30 : memref<25000xf32, #tpu.memory_space<vmem_shared>>) target_semaphore(%run_scoped3A : memref<!tpu.dma_semaphore, #tpu.memory_space<semaphore_mem>>)
        %dma_wait3A_33 = arith.constant 0 : i32
        %dma_wait3A_34 = tpu.memref_slice %arg7[%dma_wait3A_33] : memref<25600xf32, #tpu.memory_space<vmem>> -> memref<25000xf32, #tpu.memory_space<vmem>>
        %dma_wait3A_35 = tpu.memref_slice %arg5[%add3A_26] : memref<1000000xf32, #tpu.memory_space<vmem_shared>> -> memref<25000xf32, #tpu.memory_space<vmem_shared>>
        %dma_wait3A_36 = tpu.memref_slice %arg5[%add3A_26] : memref<1000000xf32, #tpu.memory_space<vmem_shared>> -> memref<25000xf32, #tpu.memory_space<vmem_shared>>
        %dma_wait3A_37 = arith.constant 0 : i32
        %dma_wait3A_38 = tpu.memref_slice %arg7[%dma_wait3A_37] : memref<25600xf32, #tpu.memory_space<vmem>> -> memref<25000xf32, #tpu.memory_space<vmem>>
        tpu.wait_dma2 semaphore(%run_scoped3A : memref<!tpu.dma_semaphore, #tpu.memory_space<semaphore_mem>>) src(%dma_wait3A_38 : memref<25000xf32, #tpu.memory_space<vmem>>) dst(%dma_wait3A_36 : memref<25000xf32, #tpu.memory_space<vmem_shared>>)
        tpu.yield
      }) : () -> ()
    } else {
    }
    %barrier3A = arith.constant 0 : index
    tpu.barrier barrier_id(%barrier3A)
    %dma_wait3A = tpu.memref_slice %arg2[%mul3A_2] : memref<819200xi32, #tpu.memory_space<hbm>> -> memref<25600xi32, #tpu.memory_space<hbm>>
    %dma_wait3A_6 = tpu.memref_slice %arg2[%mul3A_2] : memref<819200xi32, #tpu.memory_space<hbm>> -> memref<25600xi32, #tpu.memory_space<hbm>>
    tpu.wait_dma2 semaphore(%arg9 : memref<!tpu.dma_semaphore, #tpu.memory_space<semaphore_mem>>) src(%dma_wait3A_6 : memref<25600xi32, #tpu.memory_space<hbm>>) dst(%arg6 : memref<25600xi32, #tpu.memory_space<vmem>>)
    %dma_start3A_7 = arith.constant 0 : i32
    %dma_start3A_8 = tpu.memref_slice %arg5[%dma_start3A_7] : memref<1000000xf32, #tpu.memory_space<vmem_shared>> -> memref<1000000xf32, #tpu.memory_space<vmem_shared>>
    tpu.enqueue_indirect_dma source(%dma_start3A_8 : memref<1000000xf32, #tpu.memory_space<vmem_shared>>) target(%arg7 : memref<25600xf32, #tpu.memory_space<vmem>>) offsets(%arg6 : memref<25600xi32, #tpu.memory_space<vmem>>) semaphore(%arg8 : memref<!tpu.dma_semaphore, #tpu.memory_space<semaphore_mem>>)
    %dma_wait3A_9 = arith.constant 0 : i32
    %dma_wait3A_10 = tpu.memref_slice %arg5[%dma_wait3A_9] : memref<1000000xf32, #tpu.memory_space<vmem_shared>> -> memref<1000000xf32, #tpu.memory_space<vmem_shared>>
    tpu.wait_indirect_dma semaphore(%arg8 : memref<!tpu.dma_semaphore, #tpu.memory_space<semaphore_mem>>) src(%dma_wait3A_10 : memref<1000000xf32, #tpu.memory_space<vmem_shared>>) dst(%arg7 : memref<25600xf32, #tpu.memory_space<vmem>>)
    "tpu.region"() ({
      %run_scoped3A = tpu.sem_alloc : memref<!tpu.dma_semaphore, #tpu.memory_space<semaphore_mem>>
      %dma_start3A_11 = tpu.memref_slice %arg4[%mul3A_2] : memref<819200xf32, #tpu.memory_space<hbm>> -> memref<25600xf32, #tpu.memory_space<hbm>>
      %dma_start3A_12 = tpu.memref_slice %arg4[%mul3A_2] : memref<819200xf32, #tpu.memory_space<hbm>> -> memref<25600xf32, #tpu.memory_space<hbm>>
      tpu.enqueue_dma source(%arg7 : memref<25600xf32, #tpu.memory_space<vmem>>) target(%dma_start3A_12 : memref<25600xf32, #tpu.memory_space<hbm>>) target_semaphore(%run_scoped3A : memref<!tpu.dma_semaphore, #tpu.memory_space<semaphore_mem>>)
      %dma_wait3A_13 = tpu.memref_slice %arg4[%mul3A_2] : memref<819200xf32, #tpu.memory_space<hbm>> -> memref<25600xf32, #tpu.memory_space<hbm>>
      %dma_wait3A_14 = tpu.memref_slice %arg4[%mul3A_2] : memref<819200xf32, #tpu.memory_space<hbm>> -> memref<25600xf32, #tpu.memory_space<hbm>>
      tpu.wait_dma2 semaphore(%run_scoped3A : memref<!tpu.dma_semaphore, #tpu.memory_space<semaphore_mem>>) src(%arg7 : memref<25600xf32, #tpu.memory_space<vmem>>) dst(%dma_wait3A_14 : memref<25600xf32, #tpu.memory_space<hbm>>)
      tpu.yield
    }) : () -> ()
    return
  }
}

</mosaic_0001>

<sc_bundles>
// kernel: kernel.3.cloned.1.call-start
scs
__scs_entry_jumppad:
0x0: {  	(pc) =	sbr.rel $0x88, $3  }
0x1: {  	(tag) =	ssettag $0x0;
	lr =	simm.s32 $0x1  }
0x2: {  	[smem:$0x3F9F] =	sst lr;
	_ =	strace $0xD0000000  }
0x3: {  	_ = 	snop  }
0x4: {  	_ = 	snop  }
0x5: {  	_ = 	snop  }
0x6: {  	_ = 	snop  }
0x7: {  	_ = 	snop  }
__scs_overlays_trampoline_lowered:
0x8: {  	[smem:$0x3FAE] =	sst s0  }
0x9: {  	[smem:$0x3FAF] =	sst s1  }
0xa: {  	[smem:$0x3FB0] =	sst s2  }
0xb: {  	[smem:$0x3FB1] =	sst s3  }
0xc: {  	[smem:$0x3FB2] =	sst s4  }
0xd: {  	[smem:$0x3FB3] =	sst s5  }
0xe: {  	[smem:$0x3FB4] =	sst s6  }
0xf: {  	[smem:$0x3FB5] =	sst s7  }
0x10: {  	[smem:$0x3FB6] =	sst s8  }
0x11: {  	[smem:$0x3FB7] =	sst s9;
	s0 =	simm.s32 @!p0 $0x0  }
0x12: {  	s1 =	sld [smem:$0x3F9D];
	s0 =	simm.s32 @p0 $0x1  }
0x13: {  	[smem:$0x3FB8] =	sst s0;
	s0 =	simm.s32 @!p1 $0x0  }
0x14: {  	s2 =	sld [smem:$0x3F9C];
	s0 =	simm.s32 @p1 $0x1  }
0x15: {  	[smem:$0x3FB9] =	sst s0;
	s0 =	simm.s32 @!p2 $0x0  }
0x16: {  	s3 =	sld [smem:$0x3FDB];
	s0 =	simm.s32 @p2 $0x1  }
0x17: {  	s4 =	simm.s32 $0x1BF5;
	[smem:$0x3FBB] =	sst s0  }
0x18: {  	s0 =	sld [smem:$0x3F9E];
	_ =	swait.ge [sflag:s4], $0x0  }
0x19: {  	s7 =	sld [smem:$0x3F9F]  }
0x1a: {  	s8 =	sadd.s32 $0xFFFFE003, lr  }
0x1b: {  	s9 =	sadd.s32 $0xFFFFFEF7, lr;
	s5 =	simm.s32 $0xFFFFFFFF;
	p2 =	slt.u32 s8, $0xFFFFF086  }
0x1c: {  	p1 =	slt.u32 s9, $0xF7A;
	s5 =	simm.s32 @!p2 $0x0  }
0x1d: {  	s5 =	simm.s32 @p1 $0x1;
	p0 =	seq.s32 s7, s2  }
0x1e: {  	s7 =	smul.u32 @!p0 $0xF7A, s2;
	p2 =	seq.s32 @!p0 s5, $0x0  }
0x1f: {  	s9 =	smul.u32 $0xF7A, s1;
	s8 =	simm.s32 @!p0 $0x1BF5;
	p2 =	por !p2, p0  }
0x20: {  	[sflag:s8] =	ssyncset.s32 @!p0 $0xFFFFF086;
	s6 =	sadd.s32 @!p0 s3, s7;
	s7 =	simm.s32 @!p0 $0x108  }
0x21: {  	s3 =	sadd.s32 s3, s9;
	s6 =	sadd.s32 @!p0 $0x88, s6;
	s7 =	simm.s32 @p2 $0x1082  }
0x22: {  	[simem:s7], [sflag:s8] =	dma.local @!p0 [hbm:s6], $0xF7A  }
0x23: {  	s9 =	sor.u32 $0xD0000000, s2;
	s6 =	simm.s32 $0x108;
	_ =	swait.ge @!p0 [sflag:s8], $0x0  }
0x24: {  	s3 =	sadd.s32 $0x88, s3;
	s6 =	simm.s32 @!p1 $0x1082;
	[sflag:s4] =	ssyncset.s32 $0xFFFFF086  }
0x25: {  	[simem:s6], [sflag:s4] =	dma.local [hbm:s3], $0xF7A  }
0x26: {  	[smem:$0x3F9F] =	sst s1;
	(tag) =	ssettag s2;
	_ =	strace s9  }
0x27: {  	s1 =	sld [smem:$0x3FAF]  }
0x28: {  	s2 =	sld [smem:$0x3FB0]  }
0x29: {  	s4 =	sld [smem:$0x3FB2]  }
0x2a: {  	p0 =	seq.s32 s5, $0x0;
	s5 =	sld [smem:$0x3FB3]  }
0x2b: {  	s6 =	sld [smem:$0x3FB4]  }
0x2c: {  	s7 =	sld [smem:$0x3FB5]  }
0x2d: {  	s3 =	simm.s32 $0x108;
	s8 =	sld [smem:$0x3FB6]  }
0x2e: {  	s3 =	simm.s32 @!p0 $0x1082;
	s9 =	sld [smem:$0x3FB7]  }
0x2f: {  	lr =	sadd.s32 s0, s3;
	s0 =	sld [smem:$0x3FAE]  }
0x30: {  	s3 =	sld [smem:$0x3FB1]  }
0x31: {  	[smem:$0x3FBA] =	sst s10  }
0x32: {  	s10 =	sld [smem:$0x3FB8];
	_ =	sdelay $0x3  }
0x33: {  	p0 =	seq.s32 s10, $0x1;
	s10 =	sld [smem:$0x3FBA];
	_ =	sdelay $0x3  }
0x34: {  	[smem:$0x3FBA] =	sst s10  }
0x35: {  	s10 =	sld [smem:$0x3FB9];
	_ =	sdelay $0x3  }
0x36: {  	p1 =	seq.s32 s10, $0x1;
	s10 =	sld [smem:$0x3FBA];
	_ =	sdelay $0x3  }
0x37: {  	[smem:$0x3FBA] =	sst s10  }
0x38: {  	s10 =	sld [smem:$0x3FBB]  }
0x39: {  	_ = 	snop;
	(pc) =	sbr.ind lr, $3  }
0x3a: {  	_ = 	snop  }
0x3b: {  	_ = 	snop  }
0x3c: {  	p2 =	seq.s32 s10, $0x1;
	s10 =	sld [smem:$0x3FBA]  }
0x3d: {  	_ =	shalt  }
0x3e: {  	_ =	shalt  }
0x3f: {  	_ =	shalt  }
0x40: {  	_ =	shalt  }
0x41: {  	_ =	shalt  }
0x42: {  	_ =	shalt  }
0x43: {  	_ =	shalt  }
0x44: {  	_ =	shalt  }
0x45: {  	_ =	shalt  }
0x46: {  	_ =	shalt  }
0x47: {  	_ =	shalt  }
0x48: {  	_ =	shalt  }
0x49: {  	_ =	shalt  }
0x4a: {  	_ =	shalt  }
0x4b: {  	_ =	shalt  }
0x4c: {  	_ =	shalt  }
0x4d: {  	_ =	shalt  }
0x4e: {  	_ =	shalt  }
0x4f: {  	_ =	shalt  }
0x50: {  	_ =	shalt  }
0x51: {  	_ =	shalt  }
0x52: {  	_ =	shalt  }
0x53: {  	_ =	shalt  }
0x54: {  	_ =	shalt  }
0x55: {  	_ =	shalt  }
0x56: {  	_ =	shalt  }
0x57: {  	_ =	shalt  }
0x58: {  	_ =	shalt  }
0x59: {  	_ =	shalt  }
0x5a: {  	_ =	shalt  }
0x5b: {  	_ =	shalt  }
0x5c: {  	_ =	shalt  }
0x5d: {  	_ =	shalt  }
0x5e: {  	_ =	shalt  }
0x5f: {  	_ =	shalt  }
0x60: {  	_ =	shalt  }
0x61: {  	_ =	shalt  }
0x62: {  	_ =	shalt  }
0x63: {  	_ =	shalt  }
0x64: {  	_ =	shalt  }
0x65: {  	_ =	shalt  }
0x66: {  	_ =	shalt  }
0x67: {  	_ =	shalt  }
0x68: {  	_ =	shalt  }
0x69: {  	_ =	shalt  }
0x6a: {  	_ =	shalt  }
0x6b: {  	_ =	shalt  }
0x6c: {  	_ =	shalt  }
0x6d: {  	_ =	shalt  }
0x6e: {  	_ =	shalt  }
0x6f: {  	_ =	shalt  }
0x70: {  	_ =	shalt  }
0x71: {  	_ =	shalt  }
0x72: {  	_ =	shalt  }
0x73: {  	_ =	shalt  }
0x74: {  	_ =	shalt  }
0x75: {  	_ =	shalt  }
0x76: {  	_ =	shalt  }
0x77: {  	_ =	shalt  }
0x78: {  	_ =	shalt  }
0x79: {  	_ =	shalt  }
0x7a: {  	_ =	shalt  }
0x7b: {  	_ =	shalt  }
0x7c: {  	_ =	shalt  }
0x7d: {  	_ =	shalt  }
0x7e: {  	_ =	shalt  }
0x7f: {  	_ =	shalt  }
0x80: {  	_ =	shalt  }
0x81: {  	_ =	shalt  }
0x82: {  	_ =	shalt  }
0x83: {  	_ =	shalt  }
0x84: {  	_ =	shalt  }
0x85: {  	_ =	shalt  }
0x86: {  	_ =	shalt  }
0x87: {  	_ =	shalt  }
.Lfunc_end0:
.L_simem_size_0:
called_computation_lowered:
.L_overlay_start_0:
0x88: {  	s2 =	sld [smem:$0x3FD9]  }
0x89: {  	s3 =	sld [smem:$0x3FFE];
	_ =	sdelay $0x1  }
0x8a: {  	s1 =	srdreg.scid  }
0x8b: {  	s0 =	sand.u32 $0x1, s1  }
0x8c: {  	s17 =	sshll.u32 s0, $0xA;
	s2 =	sadd.s32 s3, s2  }
0x8d: {  	s2 =	sadd.s32 s2, s17  }
0x8e: {  	[smem:$0x3FC6] =	sst s2  }
0x8f: {  	_ = 	snop  }
0x90: {  	s2 =	sld [smem:$0x3FC8]  }
0x91: {  	s18 =	sld [smem:$0x3FD0];
	(tm) =	ssettm $0x1  }
0x92: {  	s4 =	sld [smem:$0x3FFB];
	_ =	sdelay $0x3  }
0x93: {  	_ =	strace s4  }
0x94: {  	s4 =	sld [smem:$0x3FFC];
	_ =	sdelay $0x3  }
0x95: {  	_ =	strace s4  }
0x96: {  	s4 =	sld [smem:$0x3FFD];
	_ =	sdelay $0x3  }
0x97: {  	_ =	strace s4  }
0x98: {  	_ =	strace $0x8FFFFFFF  }
0x99: {  	s19 =	sld [smem:$0x3FDB];
	_ =	sdelay $0x1  }
0x9a: {  	s5 =	simm.s32 $_scs_section_size  }
0x9b: {  	s6 =	simm.s32 $_size__tile_overlayer_lowered;
	s7 =	simm.s32 $_tile_overlayer_lowered  }
0x9c: {  	s22 =	simm.s32 $0x1BFF;
	s21 =	sshll.u32 s7, $0x1;
	s4 =	sadd.s32 s5, s19  }
0x9d: {  	s8 =	simm.s32 $0x0;
	s20 =	sshll.u32 s6, $0x1;
	s6 =	sadd.s32 s21, s4  }
0x9e: {  	[timem:s8], [sflag:s22] =	dma.local [hbm:s6], s20  }
0x9f: {  	_ =	swait.ge [sflag:s22], s20  }
0xa0: {  	s5 =	ssub.s32 $0x0, s20;
	[sflag:s22] =	ssyncset.done $0x0  }
0xa1: {  	[sflag:s22] =	ssyncadd.s32 s5;
	_ =	sdelay $0x1  }
0xa2: {  	s23 =	simm.s32 $0x1B8B  }
0xa3: {  	_ =	swait.ge [sflag:s23], $0x1  }
0xa4: {  	[sflag:s23] =	ssyncset.done $0x0  }
0xa5: {  	s25 =	simm.s32 $0x1B8E;
	s24 =	sld [smem:$0x3FFE];
	[sflag:s23] =	ssyncadd.s32 $0xFFFFFFFF  }
0xa6: {  	s26 =	simm.s32 $execute0_lowered;
	[smem:$0x3FD2] =	sst s25  }
0xa7: {  	s6 =	sshll.u32 s26, $0x1;
	_ =	strace $0x80000046;
	[dreg:$0x1] =	wrdreg $0xFFFFFFFF  }
0xa8: {  	s28 =	simm.s32 $_size_execute0_lowered;
	s4 =	sadd.s32 s4, s6;
	[dreg:$0x0] =	wrdreg $0x0  }
0xa9: {  	s6 =	sshll.u32 s28, $0x1;
	[dreg:$0x2] =	wrdreg s4  }
0xaa: {  	[dreg:$0x3] =	wrdreg s6  }
0xab: {  	[dreg:$0x4] =	wrdreg $0xC0  }
0xac: {  	_ =	task [dreg:s8], $0x5FFFF  }
0xad: {  	[dreg:$0x1] =	wrdreg $0xFFFFFFFF  }
0xae: {  	[dreg:$0x0] =	wrdreg $0x60  }
0xaf: {  	[dreg:$0x2] =	wrdreg s24  }
0xb0: {  	[dreg:$0x3] =	wrdreg s2  }
0xb1: {  	[dreg:$0x4] =	wrdreg s18  }
0xb2: {  	[dreg:$0x5] =	wrdreg $0x0  }
0xb3: {  	[dreg:$0x6] =	wrdreg $0x9  }
0xb4: {  	_ =	task.clear_ibuf [dreg:s8], $0x7FFFF;
	_ =	strace $0x90000046  }
0xb5: {  	s29 =	simm.s32 $0x9;
	_ =	strace $0x80000048  }
0xb6: {  	_ =	swait.ge [sflag:s29], $0x1  }
0xb7: {  	[sflag:s29] =	ssyncadd.s32 $0xFFFFFFFF  }
0xb8: {  	_ =	strace $0x90000048  }
0xb9: {  	_ =	sfence  }
0xba: {  	s30 =	sld [smem:$0x0];
	_ =	sdelay $0x2  }
0xbb: {  	s31 =	sshll.u32 s1, $0xD;
	s1 =	sshrl.u32 s1, $0x2  }
0xbc: {  	s3 =	sand.u32 $0x4000, s31;
	s1 =	sadd.s32 s1, s30  }
0xbd: {  	s0 =	sor.u32 s3, s0;
	s1 =	sshll.u32 s1, $0x11  }
0xbe: {  	s0 =	sor.u32 s1, s0  }
0xbf: {  	s0 =	sadd.s32 $0x8F2B, s0  }
0xc0: {  	[sflag:s0] =	ssyncadd.remote.s32 $0x1  }
0xc1: {  	_ =	sfence.sel $0xFFFF  }
0xc2: {  	[dreg:$0x0] =	wrdreg $0xFFFFFFFF;
	(pc) =	sbr.abs _section_cstart, $3  }
0xc3: {  	[dreg:$0x1] =	wrdreg $0xFFFFFFFF  }
0xc4: {  	_ =	task.clear_ibuf [dreg:s8], $0x2FFFF;
	_ =	strace $0x9FFFFFFF  }
0xc5: {  	(tm) =	ssettm $0x7FFFFFFF  }
tec
execute0_lowered:
.L_overlay_start_1:
0x0: {  	(tag) =	ssettag $0x1  }
0x1: {  	s4 =	rddreg [dreg:$0x0];
	s1 =	srdreg.scid  }
0x2: {  	s0 =	stileid.u32;
	s15 =	rddreg [dreg:$0x1]  }
0x3: {  	s21 =	rddreg [dreg:$0x2];
	s18 =	sand.u32 $0x1, s1;
	s31 =	sshll.u32 s0, $0x1  }
0x4: {  	s2 =	rddreg [dreg:$0x3];
	s1 =	sor.u32 s18, s31  }
0x5: {  	s3 =	simm.s32 $0x0;
	s6 =	simm.s32 $0xF428;
	s22 =	smul.u32 $0xC80, s1  }
0x6: {  	s16 =	smul.u32 $0x186A0, s0;
	[smem:$0x7FF] =	sst s3;
	p0 =	sgt.u32 s0, $0x9  }
0x7: {  	s7 =	simm.s32 @!p0 $0x0;
	s1 =	rddreg [dreg:$0x4];
	s4 =	sadd.s32 s22, s4  }
0x8: {  	_ =	strace $0x80000047;
	s5 =	sshrl.u32 s16, $0x3;
	s4 =	sadd.s32 $0x400, s4  }
0x9: {  	[tilespmem:s6], [sflag:$0x2] =	stream.linear.gather [hbm4b:s4+s3], $0x6400, $0x38;
	[tilespmem:$0x1BC28] =	vst v63  }
0xa: {  	s8 =	simm.s32 @!p0 $0x15828;
	s9 =	simm.s32 @!p0 $0x3;
	s5 =	sadd.s32 s15, s5  }
0xb: {  	[tilespmem:s8], [sflag:$0x3] =	stream.linear.gather @!p0 [hbm4b:s5+s7], $0x61A8, $0x38;
	[tilespmem:$0x1BC28] =	vst v63  }
0xc: {  	_ =	swait.ge @!p0 [sflag:s9], $0x61A8  }
0xd: {  	[sflag:s9] =	ssyncset.done @!p0 $0x0  }
0xe: {  	s10 =	sadd.s32 s16, s2;
	[sflag:s9] =	ssyncadd.s32 @!p0 $0xFFFF9E58  }
0xf: {  	[spmem:s10] =	stream.linear.scatter @!p0 [tilespmem:s8], [sflag:$0x3], $0x61A8, $0x38;
	[tilespmem:$0x1BC28] =	vst v63  }
0x10: {  	s12 =	sadd.s32 $0x61A8, s16;
	_ =	swait.ge @!p0 [sflag:s9], $0x61A8  }
0x11: {  	s11 =	sshrl.u32 s12, $0x3;
	[sflag:s9] =	ssyncset.done @!p0 $0x0  }
0x12: {  	s11 =	sadd.s32 s15, s11;
	[sflag:s9] =	ssyncadd.s32 @!p0 $0xFFFF9E58  }
0x13: {  	[tilespmem:s8], [sflag:$0x3] =	stream.linear.gather @!p0 [hbm4b:s11+s7], $0x61A8, $0x38;
	[tilespmem:$0x1BC28] =	vst v63  }
0x14: {  	_ =	swait.ge @!p0 [sflag:s9], $0x61A8  }
0x15: {  	[sflag:s9] =	ssyncset.done @!p0 $0x0  }
0x16: {  	s12 =	sadd.s32 s12, s2;
	[sflag:s9] =	ssyncadd.s32 @!p0 $0xFFFF9E58  }
0x17: {  	[spmem:s12] =	stream.linear.scatter @!p0 [tilespmem:s8], [sflag:$0x3], $0x61A8, $0x38;
	[tilespmem:$0x1BC28] =	vst v63  }
0x18: {  	s14 =	sadd.s32 $0xC350, s16;
	_ =	swait.ge @!p0 [sflag:s9], $0x61A8  }
0x19: {  	s13 =	sshrl.u32 s14, $0x3;
	[sflag:s9] =	ssyncset.done @!p0 $0x0  }
0x1a: {  	s13 =	sadd.s32 s15, s13;
	[sflag:s9] =	ssyncadd.s32 @!p0 $0xFFFF9E58  }
0x1b: {  	[tilespmem:s8], [sflag:$0x3] =	stream.linear.gather @!p0 [hbm4b:s13+s7], $0x61A8, $0x38;
	[tilespmem:$0x1BC28] =	vst v63  }
0x1c: {  	_ =	swait.ge @!p0 [sflag:s9], $0x61A8  }
0x1d: {  	[sflag:s9] =	ssyncset.done @!p0 $0x0  }
0x1e: {  	s14 =	sadd.s32 s14, s2;
	[sflag:s9] =	ssyncadd.s32 @!p0 $0xFFFF9E58  }
0x1f: {  	[spmem:s14] =	stream.linear.scatter @!p0 [tilespmem:s8], [sflag:$0x3], $0x61A8, $0x38;
	[tilespmem:$0x1BC28] =	vst v63  }
0x20: {  	s16 =	sadd.s32 $0x124F8, s16;
	_ =	swait.ge @!p0 [sflag:s9], $0x61A8  }
0x21: {  	s17 =	sshrl.u32 s16, $0x3;
	[sflag:s9] =	ssyncset.done @!p0 $0x0  }
0x22: {  	s15 =	sadd.s32 s15, s17;
	[sflag:s9] =	ssyncadd.s32 @!p0 $0xFFFF9E58  }
0x23: {  	[tilespmem:s8], [sflag:$0x3] =	stream.linear.gather @!p0 [hbm4b:s15+s7], $0x61A8, $0x38;
	[tilespmem:$0x1BC28] =	vst v63  }
0x24: {  	_ =	swait.ge @!p0 [sflag:s9], $0x61A8  }
0x25: {  	[sflag:s9] =	ssyncset.done @!p0 $0x0  }
0x26: {  	s16 =	sadd.s32 s16, s2;
	[sflag:s9] =	ssyncadd.s32 @!p0 $0xFFFF9E58  }
0x27: {  	[spmem:s16] =	stream.linear.scatter @!p0 [tilespmem:s8], [sflag:$0x3], $0x61A8, $0x38;
	[tilespmem:$0x1BC28] =	vst v63  }
0x28: {  	_ =	swait.ge @!p0 [sflag:s9], $0x61A8  }
0x29: {  	[sflag:s9] =	ssyncset.done @!p0 $0x0  }
0x2a: {  	s23 =	ssub.s32 $0x2, s18;
	[sflag:s9] =	ssyncadd.s32 @!p0 $0xFFFF9E58  }
0x2b: {  	s24 =	sshrl.u32 s23, $0x1;
	s17 =	simm.s32 $0x2;
	[bflag:$0x0] =	sbarrier.arrive $0xFFFF  }
0x2c: {  	s19 =	simm.s32 $0x15828;
	s23 =	ssub.s32 s23, s24;
	_ =	swait.ge [sflag:s17], $0x6400  }
0x2d: {  	s20 =	simm.s32 $0x1;
	s23 =	smax.u32 s23, $0x1;
	[sflag:s17] =	ssyncset.done $0x0  }
0x2e: {  	s18 =	simm.s32 $0x6400;
	s23 =	sadd.s32 $0xFFFFFFFF, s23;
	[sflag:s17] =	ssyncadd.s32 $0xFFFF9C00  }
0x2f: {  	[tilespmem:s19], [sflag:$0x1] =	stream.indirect.gather [spmem:s2], $0x1, s6, s18, $0xb8;
	[tilespmem:$0x1BC28] =	vst v63  }
0x30: {  	p1 =	sne.s32 s23, $0x0;
	_ =	swait.ge [sflag:s20], $0x6400  }
.Ltmp0:
0x31: {  	[sflag:s20] =	ssyncset.done $0x0;
	(pc) =	sbr.rel @!p1 .LBB2_2-.Ltmp0, $4  }
0x32: {  	s21 =	sadd.s32 s21, s22;
	s22 =	simm.s32 $0x3;
	[sflag:s20] =	ssyncadd.s32 $0xFFFF9C00  }
0x33: {  	[hbm4b:s21+s3] =	stream.linear.scatter [tilespmem:s19], [sflag:$0x3], $0x6400, $0x38;
	[tilespmem:$0x1BC28] =	vst v63  }
0x34: {  	_ =	swait.ge [sflag:s22], $0x6400  }
0x35: {  	[sflag:s22] =	ssyncset.done $0x0  }
.LBB2_1:
0x36: {  	s23 =	sadd.s32 $0xFFFFFFFF, s23;
	[sflag:s22] =	ssyncadd.s32 $0xFFFF9C00  }
0x37: {  	[tilespmem:s6], [sflag:$0x2] =	stream.linear.gather [hbm4b:s4+s3], $0x6400, $0x38;
	[tilespmem:$0x1BC28] =	vst v63  }
0x38: {  	_ = 	snop  }
0x39: {  	[tilespmem:s8], [sflag:$0x3] =	stream.linear.gather @!p0 [hbm4b:s5+s7], $0x61A8, $0x38;
	[tilespmem:$0x1BC28] =	vst v63  }
0x3a: {  	p1 =	sne.s32 s23, $0x0;
	_ =	swait.ge @!p0 [sflag:s9], $0x61A8  }
0x3b: {  	[sflag:s9] =	ssyncset.done @!p0 $0x0  }
0x3c: {  	[sflag:s9] =	ssyncadd.s32 @!p0 $0xFFFF9E58  }
0x3d: {  	[spmem:s10] =	stream.linear.scatter @!p0 [tilespmem:s8], [sflag:$0x3], $0x61A8, $0x38;
	[tilespmem:$0x1BC28] =	vst v63  }
0x3e: {  	_ =	swait.ge @!p0 [sflag:s9], $0x61A8  }
0x3f: {  	[sflag:s9] =	ssyncset.done @!p0 $0x0  }
0x40: {  	[sflag:s9] =	ssyncadd.s32 @!p0 $0xFFFF9E58  }
0x41: {  	[tilespmem:s8], [sflag:$0x3] =	stream.linear.gather @!p0 [hbm4b:s11+s7], $0x61A8, $0x38;
	[tilespmem:$0x1BC28] =	vst v63  }
0x42: {  	_ =	swait.ge @!p0 [sflag:s9], $0x61A8  }
0x43: {  	[sflag:s9] =	ssyncset.done @!p0 $0x0  }
0x44: {  	[sflag:s9] =	ssyncadd.s32 @!p0 $0xFFFF9E58  }
0x45: {  	[spmem:s12] =	stream.linear.scatter @!p0 [tilespmem:s8], [sflag:$0x3], $0x61A8, $0x38;
	[tilespmem:$0x1BC28] =	vst v63  }
0x46: {  	_ =	swait.ge @!p0 [sflag:s9], $0x61A8  }
0x47: {  	[sflag:s9] =	ssyncset.done @!p0 $0x0  }
0x48: {  	[sflag:s9] =	ssyncadd.s32 @!p0 $0xFFFF9E58  }
0x49: {  	[tilespmem:s8], [sflag:$0x3] =	stream.linear.gather @!p0 [hbm4b:s13+s7], $0x61A8, $0x38;
	[tilespmem:$0x1BC28] =	vst v63  }
0x4a: {  	_ =	swait.ge @!p0 [sflag:s9], $0x61A8  }
0x4b: {  	[sflag:s9] =	ssyncset.done @!p0 $0x0  }
0x4c: {  	[sflag:s9] =	ssyncadd.s32 @!p0 $0xFFFF9E58  }
0x4d: {  	[spmem:s14] =	stream.linear.scatter @!p0 [tilespmem:s8], [sflag:$0x3], $0x61A8, $0x38;
	[tilespmem:$0x1BC28] =	vst v63  }
0x4e: {  	_ =	swait.ge @!p0 [sflag:s9], $0x61A8  }
0x4f: {  	[sflag:s9] =	ssyncset.done @!p0 $0x0  }
0x50: {  	[sflag:s9] =	ssyncadd.s32 @!p0 $0xFFFF9E58  }
0x51: {  	[tilespmem:s8], [sflag:$0x3] =	stream.linear.gather @!p0 [hbm4b:s15+s7], $0x61A8, $0x38;
	[tilespmem:$0x1BC28] =	vst v63  }
0x52: {  	_ =	swait.ge @!p0 [sflag:s9], $0x61A8  }
0x53: {  	[sflag:s9] =	ssyncset.done @!p0 $0x0  }
0x54: {  	[sflag:s9] =	ssyncadd.s32 @!p0 $0xFFFF9E58  }
0x55: {  	[spmem:s16] =	stream.linear.scatter @!p0 [tilespmem:s8], [sflag:$0x3], $0x61A8, $0x38;
	[tilespmem:$0x1BC28] =	vst v63  }
0x56: {  	_ =	swait.ge @!p0 [sflag:s9], $0x61A8  }
0x57: {  	[sflag:s9] =	ssyncset.done @!p0 $0x0  }
0x58: {  	[sflag:s9] =	ssyncadd.s32 @!p0 $0xFFFF9E58  }
0x59: {  	[bflag:$0x0] =	sbarrier.arrive $0xFFFF  }
0x5a: {  	_ =	swait.ge [sflag:s17], $0x6400  }
0x5b: {  	[sflag:s17] =	ssyncset.done $0x0  }
0x5c: {  	[sflag:s17] =	ssyncadd.s32 $0xFFFF9C00  }
0x5d: {  	[tilespmem:s19], [sflag:$0x1] =	stream.indirect.gather [spmem:s2], $0x1, s6, s18, $0xb8;
	[tilespmem:$0x1BC28] =	vst v63  }
0x5e: {  	_ =	swait.ge [sflag:s20], $0x6400  }
.Ltmp1:
0x5f: {  	[sflag:s20] =	ssyncset.done $0x0;
	(pc) =	sbr.rel @p1 .LBB2_1-.Ltmp1, $4  }
0x60: {  	[sflag:s20] =	ssyncadd.s32 $0xFFFF9C00  }
0x61: {  	[hbm4b:s21+s3] =	stream.linear.scatter [tilespmem:s19], [sflag:$0x3], $0x6400, $0x38;
	[tilespmem:$0x1BC28] =	vst v63  }
0x62: {  	_ =	swait.ge [sflag:s22], $0x6400  }
0x63: {  	[sflag:s22] =	ssyncset.done $0x0  }
.LBB2_2:
0x64: {  	[sflag:s22] =	ssyncadd.s32 $0xFFFF9C00  }
0x65: {  	_ =	sfence.sel $0x180000  }
0x66: {  	[bflag:$0x0] =	sbarrier.arrive $0xFFFF  }
0x67: {  	p0 =	sne.s32 s0, $0x0;
	_ =	strace $0x90000047  }
0x68: {  	s0 =	sadd.s32 @!p0 $0x100000, s1;
	[bflag:$0x2] =	sbarrier.arrive $0xFFFF  }
0x69: {  	[sflag:s0] =	ssyncadd.tile.s32 @!p0 $0x1;
	_ =	shalt  }
.Lfunc_end2:
_tile_overlayer_lowered:
.L_overlay_start_2:
0x6a: {  	(tag) =	ssettag $0x2  }
0x6b: {  	s0 =	rddreg [dreg:$0x0];
	s2 =	stileid.u32  }
0x6c: {  	s1 =	rddreg [dreg:$0x1];
	p0 =	sne.s32 s2, $0x0  }
0x6d: {  	s3 =	rddreg [dreg:$0x2];
	[bflag:$0x3] =	sbarrier.arrive $0xFFFF;
	s2 =	simm.s32 @!p0 $0x1C03  }
0x6e: {  	[timem:s3], [sflag:s2] =	dma.local @!p0 [hbm:s0], s1  }
0x6f: {  	s0 =	simm.s32 @!p0 $0x3  }
0x70: {  	_ =	swait.ge @!p0 [sflag:s0], s1  }
0x71: {  	s1 =	ssub.s32 @!p0 $0x0, s1;
	[sflag:s0] =	ssyncset.done @!p0 $0x0  }
0x72: {  	[sflag:s0] =	ssyncadd.s32 @!p0 s1  }
0x73: {  	[bflag:$0x3] =	sbarrier.arrive $0xFFFF  }
0x74: {  	_ =	shalt  }

</sc_bundles>
